<compile_context>
chip_gen: v7x
topology: tpu7x:2x2x1
jax: 0.10.2.dev20260603
libtpu: 0.0.44.dev20260713+nightly
codegen_flags: <defaults>
</compile_context>

<pallas_src>
import functools

import jax
import jax.numpy as jnp
from jax import lax
from jax.experimental import pallas as pl
from jax.experimental.pallas import tpu as pltpu
from jax.experimental.pallas import tpu_sc as plsc

NV = 2048
N_CLAUSES = 8192
BATCH = 1024

_NUM_CORES = 1
_NUM_SUBCORES = 16
_NUM_WORKERS = _NUM_CORES * _NUM_SUBCORES
_CPW = N_CLAUSES // _NUM_WORKERS
_LANES = 16


def _sc_body(t_hbm, e0_hbm, e1_hbm, e2_hbm,
             out_hbm, t_v, e0_v, e1_v, e2_v, res_v, sem):
    wid = lax.axis_index("s") * _NUM_CORES + lax.axis_index("c")
    base = wid * _CPW
    sl_in = pl.ds(base, _CPW)
    copies = [
        pltpu.async_copy(t_hbm, t_v, sem),
        pltpu.async_copy(e0_hbm.at[sl_in], e0_v, sem),
        pltpu.async_copy(e1_hbm.at[sl_in], e1_v, sem),
        pltpu.async_copy(e2_hbm.at[sl_in], e2_v, sem),
    ]
    for c in copies:
        c.wait()
    @plsc.parallel_loop(0, _CPW, _LANES, unroll=4)
    def _(off):
        sl = pl.ds(off, _LANES)
        vals = []
        for ev_ref in (e0_v, e1_v, e2_v):
            ev = ev_ref[sl]
            tv = plsc.load_gather(t_v, [lax.shift_right_logical(ev, 1)])
            flip = lax.shift_left(lax.bitwise_and(ev, 1), 31)
            st = plsc.bitcast(lax.bitwise_xor(plsc.bitcast(tv, jnp.int32), flip),
                              jnp.float32)
            vals.append(1.0 / (1.0 + jnp.exp(st)))
        res_v[sl] = 1.0 - vals[0] * vals[1] * vals[2]
    pltpu.sync_copy(res_v, out_hbm.at[pl.ds(base, _CPW)])


_sc_clauses = functools.partial(
    pl.kernel,
    out_type=jax.ShapeDtypeStruct((N_CLAUSES,), jnp.float32),
    mesh=plsc.VectorSubcoreMesh(
        core_axis_name="c", subcore_axis_name="s", num_cores=_NUM_CORES),
    compiler_params=pltpu.CompilerParams(needs_layout_passes=False),
    scratch_types=[
        pltpu.VMEM((NV,), jnp.float32),
        pltpu.VMEM((_CPW,), jnp.int32),
        pltpu.VMEM((_CPW,), jnp.int32),
        pltpu.VMEM((_CPW,), jnp.int32),
        pltpu.VMEM((_CPW,), jnp.float32),
        pltpu.SemaphoreType.DMA,
    ],
)(_sc_body)


def _bcast_body(vec_ref, out_ref):
    out_ref[...] = jnp.broadcast_to(vec_ref[...], out_ref.shape)


_ROWS_PER_BLOCK = 128


def _broadcast(vec):
    return pl.pallas_call(
        _bcast_body,
        grid=(BATCH // _ROWS_PER_BLOCK,),
        in_specs=[pl.BlockSpec((1, N_CLAUSES), lambda i: (0, 0))],
        out_specs=pl.BlockSpec((_ROWS_PER_BLOCK, N_CLAUSES), lambda i: (i, 0)),
        out_shape=jax.ShapeDtypeStruct((BATCH, N_CLAUSES), jnp.float32),
    )(vec.reshape(1, N_CLAUSES))


def kernel(input, emb_weight, clause_idx, clause_sign):
    del input
    t = emb_weight.reshape(NV)
    e = clause_idx * 2 + (clause_sign < 0).astype(jnp.int32)
    vec = _sc_clauses(t, e[:, 0], e[:, 1], e[:, 2])
    return _broadcast(vec)

# --- scband reference (transcript-rebuilt; emitter-appended) ---
"""Pipeline reference for scband-circuit-32693291057889 (READ-ONLY COPY).

The authoritative reference and input builder live on the scoring server;
editing this copy changes nothing except your own understanding.
"""

import jax, jax.numpy as jnp
import numpy as np

NV = 2048
N_CLAUSES = 8192
CLAUSE_LEN = 3
BATCH = 1024


def setup_inputs(seed: int = 0) -> dict:
    key = jax.random.key(seed)
    k1, _ = jax.random.split(key)
    # forward arg: indices into the 1-row embedding table (must all be 0)
    inp = jnp.zeros((BATCH,), dtype=jnp.int32)
    # learned parameter: nn.Embedding(1, nv).weight -> [1, NV]
    emb_weight = jax.random.normal(k1, (1, NV), dtype=jnp.float32)
    # problem structure (constants): random 3-SAT instance, 0-based variable indices and +/-1 signs
    rng = np.random.RandomState(0)
    clause_idx = jnp.asarray(rng.randint(0, NV, size=(N_CLAUSES, CLAUSE_LEN)), dtype=jnp.int32)
    clause_sign = jnp.asarray(rng.choice(np.array([-1, 1], dtype=np.int32), size=(N_CLAUSES, CLAUSE_LEN)), dtype=jnp.int32)
    return {"input": inp, "emb_weight": emb_weight, "clause_idx": clause_idx, "clause_sign": clause_sign}


def reference(input, emb_weight, clause_idx, clause_sign):
    # EMB: embedding lookup (single row) followed by sigmoid -> per-variable truth values in (0,1)
    data = jnp.take(emb_weight, input, axis=0)          # [B, NV]
    x = jax.nn.sigmoid(data)                            # [B, NV]
    # Gather literal values for every clause (vectorized form of the per-clause python loop)
    lits = jnp.take(x, clause_idx.reshape(-1), axis=1)  # [B, N_CLAUSES*CLAUSE_LEN]
    lits = lits.reshape(x.shape[0], N_CLAUSES, CLAUSE_LEN)
    # Negate literals with negative sign: y = where(sign > 0, x, 1 - x)
    y = jnp.where(clause_sign[None, :, :] > 0, lits, 1.0 - lits)
    # OR gate per clause (smooth OR): OR(y) = 1 - prod(1 - y_i)
    out = 1.0 - jnp.prod(1.0 - y, axis=-1)              # [B, N_CLAUSES]
    return out

if __name__ == "__main__":
    import jax
    _d = setup_inputs()
    print(jax.jit(kernel)(*tuple(_d.values())))

</pallas_src>

<mosaic_0001>
#map = affine_map<(d0, d1) -> (0)>
module attributes {stable_mosaic.version = 14 : i64} {
  func.func @_sc_body(%arg0: i32, %arg1: i32, %arg2: memref<2048xf32, #tpu.memory_space<hbm>>, %arg3: memref<8192xi32, #tpu.memory_space<hbm>>, %arg4: memref<8192xi32, #tpu.memory_space<hbm>>, %arg5: memref<8192xi32, #tpu.memory_space<hbm>>, %arg6: memref<8192xf32, #tpu.memory_space<hbm>>, %arg7: memref<2048xf32, #tpu.memory_space<vmem>>, %arg8: memref<512xi32, #tpu.memory_space<vmem>>, %arg9: memref<512xi32, #tpu.memory_space<vmem>>, %arg10: memref<512xi32, #tpu.memory_space<vmem>>, %arg11: memref<512xf32, #tpu.memory_space<vmem>>, %arg12: memref<!tpu.dma_semaphore, #tpu.memory_space<semaphore_mem>>) attributes {dimension_semantics = [#tpu.dimension_semantics<core_parallel>, #tpu.dimension_semantics<subcore_parallel>], iteration_bounds = array<i64: 1, 16>, scalar_prefetch = 0 : i64, scratch_operands = 6 : i64, tpu.core_type = #tpu.core_type<sc_vector_subcore>, window_params = [{transform_indices = #map}, {transform_indices = #map}, {transform_indices = #map}, {transform_indices = #map}, {transform_indices = #map}]} {
    %mul3A = arith.constant 1 : i32
    %mul3A_0 = arith.muli %arg1, %mul3A : i32
    %add3A = arith.addi %mul3A_0, %arg0 : i32
    %mul3A_1 = arith.constant 512 : i32
    %mul3A_2 = arith.muli %add3A, %mul3A_1 : i32
    tpu.enqueue_dma source(%arg2 : memref<2048xf32, #tpu.memory_space<hbm>>) target(%arg7 : memref<2048xf32, #tpu.memory_space<vmem>>) target_semaphore(%arg12 : memref<!tpu.dma_semaphore, #tpu.memory_space<semaphore_mem>>)
    %dma_start3A = tpu.memref_slice %arg3[%mul3A_2] : memref<8192xi32, #tpu.memory_space<hbm>> -> memref<512xi32, #tpu.memory_space<hbm>>
    %dma_start3A_3 = tpu.memref_slice %arg3[%mul3A_2] : memref<8192xi32, #tpu.memory_space<hbm>> -> memref<512xi32, #tpu.memory_space<hbm>>
    tpu.enqueue_dma source(%dma_start3A_3 : memref<512xi32, #tpu.memory_space<hbm>>) target(%arg8 : memref<512xi32, #tpu.memory_space<vmem>>) target_semaphore(%arg12 : memref<!tpu.dma_semaphore, #tpu.memory_space<semaphore_mem>>)
    %dma_start3A_4 = tpu.memref_slice %arg4[%mul3A_2] : memref<8192xi32, #tpu.memory_space<hbm>> -> memref<512xi32, #tpu.memory_space<hbm>>
    %dma_start3A_5 = tpu.memref_slice %arg4[%mul3A_2] : memref<8192xi32, #tpu.memory_space<hbm>> -> memref<512xi32, #tpu.memory_space<hbm>>
    tpu.enqueue_dma source(%dma_start3A_5 : memref<512xi32, #tpu.memory_space<hbm>>) target(%arg9 : memref<512xi32, #tpu.memory_space<vmem>>) target_semaphore(%arg12 : memref<!tpu.dma_semaphore, #tpu.memory_space<semaphore_mem>>)
    %dma_start3A_6 = tpu.memref_slice %arg5[%mul3A_2] : memref<8192xi32, #tpu.memory_space<hbm>> -> memref<512xi32, #tpu.memory_space<hbm>>
    %dma_start3A_7 = tpu.memref_slice %arg5[%mul3A_2] : memref<8192xi32, #tpu.memory_space<hbm>> -> memref<512xi32, #tpu.memory_space<hbm>>
    tpu.enqueue_dma source(%dma_start3A_7 : memref<512xi32, #tpu.memory_space<hbm>>) target(%arg10 : memref<512xi32, #tpu.memory_space<vmem>>) target_semaphore(%arg12 : memref<!tpu.dma_semaphore, #tpu.memory_space<semaphore_mem>>)
    tpu.wait_dma2 semaphore(%arg12 : memref<!tpu.dma_semaphore, #tpu.memory_space<semaphore_mem>>) src(%arg2 : memref<2048xf32, #tpu.memory_space<hbm>>) dst(%arg7 : memref<2048xf32, #tpu.memory_space<vmem>>)
    %dma_wait3A = tpu.memref_slice %arg3[%mul3A_2] : memref<8192xi32, #tpu.memory_space<hbm>> -> memref<512xi32, #tpu.memory_space<hbm>>
    %dma_wait3A_8 = tpu.memref_slice %arg3[%mul3A_2] : memref<8192xi32, #tpu.memory_space<hbm>> -> memref<512xi32, #tpu.memory_space<hbm>>
    tpu.wait_dma2 semaphore(%arg12 : memref<!tpu.dma_semaphore, #tpu.memory_space<semaphore_mem>>) src(%dma_wait3A_8 : memref<512xi32, #tpu.memory_space<hbm>>) dst(%arg8 : memref<512xi32, #tpu.memory_space<vmem>>)
    %dma_wait3A_9 = tpu.memref_slice %arg4[%mul3A_2] : memref<8192xi32, #tpu.memory_space<hbm>> -> memref<512xi32, #tpu.memory_space<hbm>>
    %dma_wait3A_10 = tpu.memref_slice %arg4[%mul3A_2] : memref<8192xi32, #tpu.memory_space<hbm>> -> memref<512xi32, #tpu.memory_space<hbm>>
    tpu.wait_dma2 semaphore(%arg12 : memref<!tpu.dma_semaphore, #tpu.memory_space<semaphore_mem>>) src(%dma_wait3A_10 : memref<512xi32, #tpu.memory_space<hbm>>) dst(%arg9 : memref<512xi32, #tpu.memory_space<vmem>>)
    %dma_wait3A_11 = tpu.memref_slice %arg5[%mul3A_2] : memref<8192xi32, #tpu.memory_space<hbm>> -> memref<512xi32, #tpu.memory_space<hbm>>
    %dma_wait3A_12 = tpu.memref_slice %arg5[%mul3A_2] : memref<8192xi32, #tpu.memory_space<hbm>> -> memref<512xi32, #tpu.memory_space<hbm>>
    tpu.wait_dma2 semaphore(%arg12 : memref<!tpu.dma_semaphore, #tpu.memory_space<semaphore_mem>>) src(%dma_wait3A_12 : memref<512xi32, #tpu.memory_space<hbm>>) dst(%arg10 : memref<512xi32, #tpu.memory_space<vmem>>)
    %parallel_loop3A = arith.constant 0 : i32
    %parallel_loop3A_13 = arith.constant 512 : i32
    %parallel_loop3A_14 = arith.constant 16 : i32
    scf.for %parallel_loop3A_15 = %parallel_loop3A to %parallel_loop3A_13 step %parallel_loop3A_14  : i32 {
      %parallel_loop3A_16 = arith.index_cast %parallel_loop3A_15 : i32 to index
      %parallel_loop3A_17 = tpu.vector_load %arg8[%parallel_loop3A_16] {strides = array<i32>} : memref<512xi32, #tpu.memory_space<vmem>>, vector<16xi32>,
      %parallel_loop3A_18 = arith.constant 1 : i32
      %parallel_loop3A_19 = vector.broadcast %parallel_loop3A_18 : i32 to vector<16xi32>
      %parallel_loop3A_20 = arith.shrui %parallel_loop3A_17, %parallel_loop3A_19 : vector<16xi32>
      %parallel_loop3A_21 = tpu.vector_load_idx %arg7[%parallel_loop3A_20] : memref<2048xf32, #tpu.memory_space<vmem>>[vector<16xi32>], vector<16xf32>,
      %parallel_loop3A_22 = arith.constant 1 : i32
      %parallel_loop3A_23 = vector.broadcast %parallel_loop3A_22 : i32 to vector<16xi32>
      %parallel_loop3A_24 = arith.andi %parallel_loop3A_17, %parallel_loop3A_23 : vector<16xi32>
      %parallel_loop3A_25 = arith.constant 31 : i32
      %parallel_loop3A_26 = vector.broadcast %parallel_loop3A_25 : i32 to vector<16xi32>
      %parallel_loop3A_27 = arith.shli %parallel_loop3A_24, %parallel_loop3A_26 : vector<16xi32>
      %parallel_loop3A_28 = vector.bitcast %parallel_loop3A_21 : vector<16xf32> to vector<16xi32>
      %parallel_loop3A_29 = arith.xori %parallel_loop3A_28, %parallel_loop3A_27 : vector<16xi32>
      %parallel_loop3A_30 = vector.bitcast %parallel_loop3A_29 : vector<16xi32> to vector<16xf32>
      %parallel_loop3A_31 = math.exp %parallel_loop3A_30 : vector<16xf32>
      %parallel_loop3A_32 = arith.constant 1.000000e+00 : f32
      %parallel_loop3A_33 = vector.broadcast %parallel_loop3A_32 : f32 to vector<16xf32>
      %parallel_loop3A_34 = arith.addf %parallel_loop3A_33, %parallel_loop3A_31 : vector<16xf32>
      %parallel_loop3A_35 = arith.constant 1.000000e+00 : f32
      %parallel_loop3A_36 = vector.broadcast %parallel_loop3A_35 : f32 to vector<16xf32>
      %parallel_loop3A_37 = arith.divf %parallel_loop3A_36, %parallel_loop3A_34 : vector<16xf32>
      %parallel_loop3A_38 = arith.index_cast %parallel_loop3A_15 : i32 to index
      %parallel_loop3A_39 = tpu.vector_load %arg9[%parallel_loop3A_38] {strides = array<i32>} : memref<512xi32, #tpu.memory_space<vmem>>, vector<16xi32>,
      %parallel_loop3A_40 = arith.constant 1 : i32
      %parallel_loop3A_41 = vector.broadcast %parallel_loop3A_40 : i32 to vector<16xi32>
      %parallel_loop3A_42 = arith.shrui %parallel_loop3A_39, %parallel_loop3A_41 : vector<16xi32>
      %parallel_loop3A_43 = tpu.vector_load_idx %arg7[%parallel_loop3A_42] : memref<2048xf32, #tpu.memory_space<vmem>>[vector<16xi32>], vector<16xf32>,
      %parallel_loop3A_44 = arith.constant 1 : i32
      %parallel_loop3A_45 = vector.broadcast %parallel_loop3A_44 : i32 to vector<16xi32>
      %parallel_loop3A_46 = arith.andi %parallel_loop3A_39, %parallel_loop3A_45 : vector<16xi32>
      %parallel_loop3A_47 = arith.constant 31 : i32
      %parallel_loop3A_48 = vector.broadcast %parallel_loop3A_47 : i32 to vector<16xi32>
      %parallel_loop3A_49 = arith.shli %parallel_loop3A_46, %parallel_loop3A_48 : vector<16xi32>
      %parallel_loop3A_50 = vector.bitcast %parallel_loop3A_43 : vector<16xf32> to vector<16xi32>
      %parallel_loop3A_51 = arith.xori %parallel_loop3A_50, %parallel_loop3A_49 : vector<16xi32>
      %parallel_loop3A_52 = vector.bitcast %parallel_loop3A_51 : vector<16xi32> to vector<16xf32>
      %parallel_loop3A_53 = math.exp %parallel_loop3A_52 : vector<16xf32>
      %parallel_loop3A_54 = arith.constant 1.000000e+00 : f32
      %parallel_loop3A_55 = vector.broadcast %parallel_loop3A_54 : f32 to vector<16xf32>
      %parallel_loop3A_56 = arith.addf %parallel_loop3A_55, %parallel_loop3A_53 : vector<16xf32>
      %parallel_loop3A_57 = arith.constant 1.000000e+00 : f32
      %parallel_loop3A_58 = vector.broadcast %parallel_loop3A_57 : f32 to vector<16xf32>
      %parallel_loop3A_59 = arith.divf %parallel_loop3A_58, %parallel_loop3A_56 : vector<16xf32>
      %parallel_loop3A_60 = arith.index_cast %parallel_loop3A_15 : i32 to index
      %parallel_loop3A_61 = tpu.vector_load %arg10[%parallel_loop3A_60] {strides = array<i32>} : memref<512xi32, #tpu.memory_space<vmem>>, vector<16xi32>,
      %parallel_loop3A_62 = arith.constant 1 : i32
      %parallel_loop3A_63 = vector.broadcast %parallel_loop3A_62 : i32 to vector<16xi32>
      %parallel_loop3A_64 = arith.shrui %parallel_loop3A_61, %parallel_loop3A_63 : vector<16xi32>
      %parallel_loop3A_65 = tpu.vector_load_idx %arg7[%parallel_loop3A_64] : memref<2048xf32, #tpu.memory_space<vmem>>[vector<16xi32>], vector<16xf32>,
      %parallel_loop3A_66 = arith.constant 1 : i32
      %parallel_loop3A_67 = vector.broadcast %parallel_loop3A_66 : i32 to vector<16xi32>
      %parallel_loop3A_68 = arith.andi %parallel_loop3A_61, %parallel_loop3A_67 : vector<16xi32>
      %parallel_loop3A_69 = arith.constant 31 : i32
      %parallel_loop3A_70 = vector.broadcast %parallel_loop3A_69 : i32 to vector<16xi32>
      %parallel_loop3A_71 = arith.shli %parallel_loop3A_68, %parallel_loop3A_70 : vector<16xi32>
      %parallel_loop3A_72 = vector.bitcast %parallel_loop3A_65 : vector<16xf32> to vector<16xi32>
      %parallel_loop3A_73 = arith.xori %parallel_loop3A_72, %parallel_loop3A_71 : vector<16xi32>
      %parallel_loop3A_74 = vector.bitcast %parallel_loop3A_73 : vector<16xi32> to vector<16xf32>
      %parallel_loop3A_75 = math.exp %parallel_loop3A_74 : vector<16xf32>
      %parallel_loop3A_76 = arith.constant 1.000000e+00 : f32
      %parallel_loop3A_77 = vector.broadcast %parallel_loop3A_76 : f32 to vector<16xf32>
      %parallel_loop3A_78 = arith.addf %parallel_loop3A_77, %parallel_loop3A_75 : vector<16xf32>
      %parallel_loop3A_79 = arith.constant 1.000000e+00 : f32
      %parallel_loop3A_80 = vector.broadcast %parallel_loop3A_79 : f32 to vector<16xf32>
      %parallel_loop3A_81 = arith.divf %parallel_loop3A_80, %parallel_loop3A_78 : vector<16xf32>
      %parallel_loop3A_82 = arith.mulf %parallel_loop3A_37, %parallel_loop3A_59 : vector<16xf32>
      %parallel_loop3A_83 = arith.mulf %parallel_loop3A_82, %parallel_loop3A_81 : vector<16xf32>
      %parallel_loop3A_84 = arith.constant 1.000000e+00 : f32
      %parallel_loop3A_85 = vector.broadcast %parallel_loop3A_84 : f32 to vector<16xf32>
      %parallel_loop3A_86 = arith.subf %parallel_loop3A_85, %parallel_loop3A_83 : vector<16xf32>
      %parallel_loop3A_87 = arith.index_cast %parallel_loop3A_15 : i32 to index
      %parallel_loop3A_88 = tpu.vector_load %arg11[%parallel_loop3A_87] {strides = array<i32>} : memref<512xf32, #tpu.memory_space<vmem>>, vector<16xf32>,
      tpu.vector_store %arg11[%parallel_loop3A_87], %parallel_loop3A_86 {strides = array<i32>} : memref<512xf32, #tpu.memory_space<vmem>>, vector<16xf32>,
    } {sc.loop_unroll_factor = 4 : i64, sc.parallel_access}
    "tpu.region"() ({
      %run_scoped3A = tpu.sem_alloc : memref<!tpu.dma_semaphore, #tpu.memory_space<semaphore_mem>>
      %dma_start3A_15 = tpu.memref_slice %arg6[%mul3A_2] : memref<8192xf32, #tpu.memory_space<hbm>> -> memref<512xf32, #tpu.memory_space<hbm>>
      %dma_start3A_16 = tpu.memref_slice %arg6[%mul3A_2] : memref<8192xf32, #tpu.memory_space<hbm>> -> memref<512xf32, #tpu.memory_space<hbm>>
      tpu.enqueue_dma source(%arg11 : memref<512xf32, #tpu.memory_space<vmem>>) target(%dma_start3A_16 : memref<512xf32, #tpu.memory_space<hbm>>) target_semaphore(%run_scoped3A : memref<!tpu.dma_semaphore, #tpu.memory_space<semaphore_mem>>)
      %dma_wait3A_17 = tpu.memref_slice %arg6[%mul3A_2] : memref<8192xf32, #tpu.memory_space<hbm>> -> memref<512xf32, #tpu.memory_space<hbm>>
      %dma_wait3A_18 = tpu.memref_slice %arg6[%mul3A_2] : memref<8192xf32, #tpu.memory_space<hbm>> -> memref<512xf32, #tpu.memory_space<hbm>>
      tpu.wait_dma2 semaphore(%run_scoped3A : memref<!tpu.dma_semaphore, #tpu.memory_space<semaphore_mem>>) src(%arg11 : memref<512xf32, #tpu.memory_space<vmem>>) dst(%dma_wait3A_18 : memref<512xf32, #tpu.memory_space<hbm>>)
      tpu.yield
    }) : () -> ()
    return
  }
}

module attributes {stable_mosaic.version = 14 : i64} {
  func.func @_bcast_body(%arg0: i32, %arg1: memref<1x8192xf32, #tpu.memory_space<vmem>>, %arg2: memref<128x8192xf32, #tpu.memory_space<vmem>>) attributes {dimension_semantics = [#tpu.dimension_semantics<arbitrary>], iteration_bounds = array<i64: 8>, scalar_prefetch = 0 : i64, scratch_operands = 0 : i64, tpu.core_type = #tpu.core_type<tc>, window_params = [{pipeline_mode = #tpu.pipeline_mode<synchronous>, transform_indices = @transform_0, window_bounds = array<i64: 1, 8192>}, {transform_indices = @transform_1, window_bounds = array<i64: 128, 8192>}]} {
    %get3A = arith.constant 0 : index
    %get3A_0 = arith.constant 0 : index
    %get3A_1 = vector.load %arg1[%get3A, %get3A_0] : memref<1x8192xf32, #tpu.memory_space<vmem>>, vector<1x8192xf32>
    %broadcast_in_dim3A = vector.shape_cast %get3A_1 : vector<1x8192xf32> to vector<1x8192xf32>
    %broadcast_in_dim3A_2 = vector.broadcast %broadcast_in_dim3A : vector<1x8192xf32> to vector<128x8192xf32>
    %swap3A = arith.constant 0 : index
    %swap3A_3 = arith.constant 0 : index
    %swap3A_4 = vector.load %arg2[%swap3A, %swap3A_3] : memref<128x8192xf32, #tpu.memory_space<vmem>>, vector<128x8192xf32>
    tpu.vector_store %arg2[%swap3A, %swap3A_3], %broadcast_in_dim3A_2 {strides = array<i32>} : memref<128x8192xf32, #tpu.memory_space<vmem>>, vector<128x8192xf32>,
    return
  }
  func.func @transform_0(%arg0: i32) -> (i32, i32) {
    %c0_i32 = arith.constant 0 : i32
    %c0_i32_0 = arith.constant 0 : i32
    %c0_i32_1 = arith.constant 0 : i32
    return %c0_i32, %c0_i32_0 : i32, i32
  }
  func.func @transform_1(%arg0: i32) -> (i32, i32) {
    %c0_i32 = arith.constant 0 : i32
    %c0_i32_0 = arith.constant 0 : i32
    return %arg0, %c0_i32 : i32, i32
  }
}

</mosaic_0001>

<sc_bundles>
// kernel: kernel.4.cloned.1.call-start
scs
__scs_entry_jumppad:
0x0: {  	(pc) =	sbr.rel $0x88, $3  }
0x1: {  	(tag) =	ssettag $0x0;
	lr =	simm.s32 $0x1  }
0x2: {  	[smem:$0x3F9E] =	sst lr;
	_ =	strace $0xD0000000  }
0x3: {  	_ = 	snop  }
0x4: {  	_ = 	snop  }
0x5: {  	_ = 	snop  }
0x6: {  	_ = 	snop  }
0x7: {  	_ = 	snop  }
__scs_overlays_trampoline_lowered:
0x8: {  	[smem:$0x3FAD] =	sst s0  }
0x9: {  	[smem:$0x3FAE] =	sst s1  }
0xa: {  	[smem:$0x3FAF] =	sst s2  }
0xb: {  	[smem:$0x3FB0] =	sst s3  }
0xc: {  	[smem:$0x3FB1] =	sst s4  }
0xd: {  	[smem:$0x3FB2] =	sst s5  }
0xe: {  	[smem:$0x3FB3] =	sst s6  }
0xf: {  	[smem:$0x3FB4] =	sst s7  }
0x10: {  	[smem:$0x3FB5] =	sst s8  }
0x11: {  	[smem:$0x3FB6] =	sst s9;
	s0 =	simm.s32 @!p0 $0x0  }
0x12: {  	s1 =	sld [smem:$0x3F9C];
	s0 =	simm.s32 @p0 $0x1  }
0x13: {  	[smem:$0x3FB7] =	sst s0;
	s0 =	simm.s32 @!p1 $0x0  }
0x14: {  	s2 =	sld [smem:$0x3F9B];
	s0 =	simm.s32 @p1 $0x1  }
0x15: {  	[smem:$0x3FB8] =	sst s0;
	s0 =	simm.s32 @!p2 $0x0  }
0x16: {  	s3 =	sld [smem:$0x3FDB];
	s0 =	simm.s32 @p2 $0x1  }
0x17: {  	s4 =	simm.s32 $0x1BF5;
	[smem:$0x3FBA] =	sst s0  }
0x18: {  	s0 =	sld [smem:$0x3F9D];
	_ =	swait.ge [sflag:s4], $0x0  }
0x19: {  	s7 =	sld [smem:$0x3F9E]  }
0x1a: {  	s8 =	sadd.s32 $0xFFFFE003, lr  }
0x1b: {  	s9 =	sadd.s32 $0xFFFFFEF7, lr;
	s5 =	simm.s32 $0xFFFFFFFF;
	p2 =	slt.u32 s8, $0xFFFFF086  }
0x1c: {  	p1 =	slt.u32 s9, $0xF7A;
	s5 =	simm.s32 @!p2 $0x0  }
0x1d: {  	s5 =	simm.s32 @p1 $0x1;
	p0 =	seq.s32 s7, s2  }
0x1e: {  	s7 =	smul.u32 @!p0 $0xF7A, s2;
	p2 =	seq.s32 @!p0 s5, $0x0  }
0x1f: {  	s9 =	smul.u32 $0xF7A, s1;
	s8 =	simm.s32 @!p0 $0x1BF5;
	p2 =	por !p2, p0  }
0x20: {  	[sflag:s8] =	ssyncset.s32 @!p0 $0xFFFFF086;
	s6 =	sadd.s32 @!p0 s3, s7;
	s7 =	simm.s32 @!p0 $0x108  }
0x21: {  	s3 =	sadd.s32 s3, s9;
	s6 =	sadd.s32 @!p0 $0x88, s6;
	s7 =	simm.s32 @p2 $0x1082  }
0x22: {  	[simem:s7], [sflag:s8] =	dma.local @!p0 [hbm:s6], $0xF7A  }
0x23: {  	s9 =	sor.u32 $0xD0000000, s2;
	s6 =	simm.s32 $0x108;
	_ =	swait.ge @!p0 [sflag:s8], $0x0  }
0x24: {  	s3 =	sadd.s32 $0x88, s3;
	s6 =	simm.s32 @!p1 $0x1082;
	[sflag:s4] =	ssyncset.s32 $0xFFFFF086  }
0x25: {  	[simem:s6], [sflag:s4] =	dma.local [hbm:s3], $0xF7A  }
0x26: {  	[smem:$0x3F9E] =	sst s1;
	(tag) =	ssettag s2;
	_ =	strace s9  }
0x27: {  	s1 =	sld [smem:$0x3FAE]  }
0x28: {  	s2 =	sld [smem:$0x3FAF]  }
0x29: {  	s4 =	sld [smem:$0x3FB1]  }
0x2a: {  	p0 =	seq.s32 s5, $0x0;
	s5 =	sld [smem:$0x3FB2]  }
0x2b: {  	s6 =	sld [smem:$0x3FB3]  }
0x2c: {  	s7 =	sld [smem:$0x3FB4]  }
0x2d: {  	s3 =	simm.s32 $0x108;
	s8 =	sld [smem:$0x3FB5]  }
0x2e: {  	s3 =	simm.s32 @!p0 $0x1082;
	s9 =	sld [smem:$0x3FB6]  }
0x2f: {  	lr =	sadd.s32 s0, s3;
	s0 =	sld [smem:$0x3FAD]  }
0x30: {  	s3 =	sld [smem:$0x3FB0]  }
0x31: {  	[smem:$0x3FB9] =	sst s10  }
0x32: {  	s10 =	sld [smem:$0x3FB7];
	_ =	sdelay $0x3  }
0x33: {  	p0 =	seq.s32 s10, $0x1;
	s10 =	sld [smem:$0x3FB9];
	_ =	sdelay $0x3  }
0x34: {  	[smem:$0x3FB9] =	sst s10  }
0x35: {  	s10 =	sld [smem:$0x3FB8];
	_ =	sdelay $0x3  }
0x36: {  	p1 =	seq.s32 s10, $0x1;
	s10 =	sld [smem:$0x3FB9];
	_ =	sdelay $0x3  }
0x37: {  	[smem:$0x3FB9] =	sst s10  }
0x38: {  	s10 =	sld [smem:$0x3FBA]  }
0x39: {  	_ = 	snop;
	(pc) =	sbr.ind lr, $3  }
0x3a: {  	_ = 	snop  }
0x3b: {  	_ = 	snop  }
0x3c: {  	p2 =	seq.s32 s10, $0x1;
	s10 =	sld [smem:$0x3FB9]  }
0x3d: {  	_ =	shalt  }
0x3e: {  	_ =	shalt  }
0x3f: {  	_ =	shalt  }
0x40: {  	_ =	shalt  }
0x41: {  	_ =	shalt  }
0x42: {  	_ =	shalt  }
0x43: {  	_ =	shalt  }
0x44: {  	_ =	shalt  }
0x45: {  	_ =	shalt  }
0x46: {  	_ =	shalt  }
0x47: {  	_ =	shalt  }
0x48: {  	_ =	shalt  }
0x49: {  	_ =	shalt  }
0x4a: {  	_ =	shalt  }
0x4b: {  	_ =	shalt  }
0x4c: {  	_ =	shalt  }
0x4d: {  	_ =	shalt  }
0x4e: {  	_ =	shalt  }
0x4f: {  	_ =	shalt  }
0x50: {  	_ =	shalt  }
0x51: {  	_ =	shalt  }
0x52: {  	_ =	shalt  }
0x53: {  	_ =	shalt  }
0x54: {  	_ =	shalt  }
0x55: {  	_ =	shalt  }
0x56: {  	_ =	shalt  }
0x57: {  	_ =	shalt  }
0x58: {  	_ =	shalt  }
0x59: {  	_ =	shalt  }
0x5a: {  	_ =	shalt  }
0x5b: {  	_ =	shalt  }
0x5c: {  	_ =	shalt  }
0x5d: {  	_ =	shalt  }
0x5e: {  	_ =	shalt  }
0x5f: {  	_ =	shalt  }
0x60: {  	_ =	shalt  }
0x61: {  	_ =	shalt  }
0x62: {  	_ =	shalt  }
0x63: {  	_ =	shalt  }
0x64: {  	_ =	shalt  }
0x65: {  	_ =	shalt  }
0x66: {  	_ =	shalt  }
0x67: {  	_ =	shalt  }
0x68: {  	_ =	shalt  }
0x69: {  	_ =	shalt  }
0x6a: {  	_ =	shalt  }
0x6b: {  	_ =	shalt  }
0x6c: {  	_ =	shalt  }
0x6d: {  	_ =	shalt  }
0x6e: {  	_ =	shalt  }
0x6f: {  	_ =	shalt  }
0x70: {  	_ =	shalt  }
0x71: {  	_ =	shalt  }
0x72: {  	_ =	shalt  }
0x73: {  	_ =	shalt  }
0x74: {  	_ =	shalt  }
0x75: {  	_ =	shalt  }
0x76: {  	_ =	shalt  }
0x77: {  	_ =	shalt  }
0x78: {  	_ =	shalt  }
0x79: {  	_ =	shalt  }
0x7a: {  	_ =	shalt  }
0x7b: {  	_ =	shalt  }
0x7c: {  	_ =	shalt  }
0x7d: {  	_ =	shalt  }
0x7e: {  	_ =	shalt  }
0x7f: {  	_ =	shalt  }
0x80: {  	_ =	shalt  }
0x81: {  	_ =	shalt  }
0x82: {  	_ =	shalt  }
0x83: {  	_ =	shalt  }
0x84: {  	_ =	shalt  }
0x85: {  	_ =	shalt  }
0x86: {  	_ =	shalt  }
0x87: {  	_ =	shalt  }
.Lfunc_end0:
.L_simem_size_0:
called_computation_lowered:
.L_overlay_start_0:
0x88: {  	s0 =	sld [smem:$0x3FD9]  }
0x89: {  	s1 =	sld [smem:$0x3FFE];
	_ =	sdelay $0x3  }
0x8a: {  	s0 =	sadd.s32 s1, s0  }
0x8b: {  	[smem:$0x3FC5] =	sst s0  }
0x8c: {  	_ = 	snop  }
0x8d: {  	s0 =	sld [smem:$0x3FC9]  }
0x8e: {  	s16 =	sld [smem:$0x3FD0];
	(tm) =	ssettm $0x1  }
0x8f: {  	s2 =	sld [smem:$0x3FFB];
	_ =	sdelay $0x3  }
0x90: {  	_ =	strace s2  }
0x91: {  	s2 =	sld [smem:$0x3FFC];
	_ =	sdelay $0x3  }
0x92: {  	_ =	strace s2  }
0x93: {  	s2 =	sld [smem:$0x3FFD];
	_ =	sdelay $0x3  }
0x94: {  	_ =	strace s2  }
0x95: {  	_ =	strace $0x8FFFFFFF  }
0x96: {  	s17 =	sld [smem:$0x3FDB];
	_ =	sdelay $0x1  }
0x97: {  	s3 =	simm.s32 $_scs_section_size  }
0x98: {  	s4 =	simm.s32 $_size__tile_overlayer_lowered;
	s5 =	simm.s32 $_tile_overlayer_lowered  }
0x99: {  	s20 =	simm.s32 $0x1BFF;
	s19 =	sshll.u32 s5, $0x1;
	s2 =	sadd.s32 s3, s17  }
0x9a: {  	s6 =	simm.s32 $0x0;
	s18 =	sshll.u32 s4, $0x1;
	s4 =	sadd.s32 s19, s2  }
0x9b: {  	[timem:s6], [sflag:s20] =	dma.local [hbm:s4], s18  }
0x9c: {  	_ =	swait.ge [sflag:s20], s18  }
0x9d: {  	s3 =	ssub.s32 $0x0, s18;
	[sflag:s20] =	ssyncset.done $0x0  }
0x9e: {  	[sflag:s20] =	ssyncadd.s32 s3;
	_ =	sdelay $0x1  }
0x9f: {  	s21 =	simm.s32 $0x1B8B  }
0xa0: {  	_ =	swait.ge [sflag:s21], $0x1  }
0xa1: {  	[sflag:s21] =	ssyncset.done $0x0  }
0xa2: {  	s23 =	simm.s32 $0x1B8E;
	s22 =	sld [smem:$0x3FFE];
	[sflag:s21] =	ssyncadd.s32 $0xFFFFFFFF  }
0xa3: {  	s24 =	simm.s32 $execute0_lowered;
	[smem:$0x3FD2] =	sst s23  }
0xa4: {  	s4 =	sshll.u32 s24, $0x1;
	_ =	strace $0x80000046;
	[dreg:$0x1] =	wrdreg $0xFFFFFFFF  }
0xa5: {  	s25 =	simm.s32 $_size_execute0_lowered;
	s2 =	sadd.s32 s2, s4;
	[dreg:$0x0] =	wrdreg $0x0  }
0xa6: {  	s4 =	sshll.u32 s25, $0x1;
	[dreg:$0x2] =	wrdreg s2  }
0xa7: {  	[dreg:$0x3] =	wrdreg s4  }
0xa8: {  	[dreg:$0x4] =	wrdreg $0xC0  }
0xa9: {  	_ =	task [dreg:s6], $0x5FFFF  }
0xaa: {  	[dreg:$0x1] =	wrdreg $0xFFFFFFFF  }
0xab: {  	[dreg:$0x0] =	wrdreg $0x60  }
0xac: {  	[dreg:$0x2] =	wrdreg s0  }
0xad: {  	[dreg:$0x3] =	wrdreg s22  }
0xae: {  	[dreg:$0x4] =	wrdreg s16  }
0xaf: {  	[dreg:$0x5] =	wrdreg $0x9  }
0xb0: {  	_ =	task.clear_ibuf [dreg:s6], $0x6FFFF;
	_ =	strace $0x90000046  }
0xb1: {  	s26 =	simm.s32 $0x9;
	_ =	strace $0x80000048  }
0xb2: {  	_ =	swait.ge [sflag:s26], $0x1  }
0xb3: {  	[sflag:s26] =	ssyncadd.s32 $0xFFFFFFFF  }
0xb4: {  	_ =	strace $0x90000048  }
0xb5: {  	_ =	sfence  }
0xb6: {  	s28 =	sld [smem:$0x0];
	_ =	sdelay $0x1  }
0xb7: {  	s29 =	srdreg.scid  }
0xb8: {  	s30 =	sshll.u32 s29, $0xD;
	s31 =	sshrl.u32 s29, $0x2  }
0xb9: {  	s1 =	sand.u32 $0x1, s29;
	s2 =	sand.u32 $0x4000, s30;
	s0 =	sadd.s32 s31, s28  }
0xba: {  	s1 =	sor.u32 s2, s1;
	s0 =	sshll.u32 s0, $0x11  }
0xbb: {  	s0 =	sor.u32 s0, s1  }
0xbc: {  	s0 =	sadd.s32 $0x8F2B, s0  }
0xbd: {  	[sflag:s0] =	ssyncadd.remote.s32 $0x1  }
0xbe: {  	_ =	sfence.sel $0xFFFF  }
0xbf: {  	[dreg:$0x0] =	wrdreg $0xFFFFFFFF;
	(pc) =	sbr.abs _section_cstart, $3  }
0xc0: {  	[dreg:$0x1] =	wrdreg $0xFFFFFFFF  }
0xc1: {  	_ =	task.clear_ibuf [dreg:s6], $0x2FFFF;
	_ =	strace $0x9FFFFFFF  }
0xc2: {  	(tm) =	ssettm $0x7FFFFFFF  }
0xc3: {  	_ =	shalt  }
tec
execute0_lowered:
.L_overlay_start_1:
0x0: {  	(tag) =	ssettag $0x1  }
0x1: {  	s5 =	rddreg [dreg:$0x0]  }
0x2: {  	s4 =	rddreg [dreg:$0x1]  }
0x3: {  	s6 =	rddreg [dreg:$0x2];
	s3 =	simm.s32 $0x0;
	s1 =	stileid.u32  }
0x4: {  	[smem:$0x7FF] =	sst s3;
	s2 =	sshll.u32 s1, $0x6  }
0x5: {  	s0 =	rddreg [dreg:$0x3];
	_ =	strace $0x80000047;
	s7 =	sadd.s32 s2, s4  }
0x6: {  	[tilespmem:s3], [sflag:$0x1] =	stream.linear.gather [hbm4b:s5+s3], $0x800, $0x38;
	[tilespmem:$0x1000] =	vst v63  }
0x7: {  	s8 =	simm.s32 $0x800;
	s18 =	sadd.s32 $0xC00, s7  }
0x8: {  	[tilespmem:s8], [sflag:$0x1] =	stream.linear.gather [hbm4b:s18+s3], $0x200, $0x38;
	[tilespmem:$0x1000] =	vst v63  }
0x9: {  	s20 =	simm.s32 $0xA00;
	s19 =	sadd.s32 $0x800, s7  }
0xa: {  	[tilespmem:s20], [sflag:$0x1] =	stream.linear.gather [hbm4b:s19+s3], $0x200, $0x38;
	[tilespmem:$0x1000] =	vst v63  }
0xb: {  	s22 =	simm.s32 $0xC00;
	s23 =	simm.s32 $0x1;
	s21 =	sadd.s32 s6, s2  }
0xc: {  	[tilespmem:s22], [sflag:$0x1] =	stream.linear.gather [hbm4b:s21+s3], $0x200, $0x38;
	[tilespmem:$0x1000] =	vst v63  }
0xd: {  	_ =	swait.ge [sflag:s23], $0x800  }
0xe: {  	[sflag:s23] =	ssyncset.done $0x0  }
0xf: {  	[sflag:s23] =	ssyncadd.s32 $0xFFFFF800  }
0x10: {  	_ =	swait.ge [sflag:s23], $0x200  }
0x11: {  	[sflag:s23] =	ssyncset.done $0x0  }
0x12: {  	[sflag:s23] =	ssyncadd.s32 $0xFFFFFE00  }
0x13: {  	_ =	swait.ge [sflag:s23], $0x200  }
0x14: {  	[sflag:s23] =	ssyncset.done $0x0  }
0x15: {  	[sflag:s23] =	ssyncadd.s32 $0xFFFFFE00  }
0x16: {  	_ =	swait.ge [sflag:s23], $0x200  }
0x17: {  	[sflag:s23] =	ssyncset.done $0x0  }
0x18: {  	s24 =	simm.s32 $0x820;
	[sflag:s23] =	ssyncadd.s32 $0xFFFFFE00  }
0x19: {  	s25 =	simm.s32 $0xA20;
	v0 =	vld [tilespmem:s24+$0x10]  }
0x1a: {  	v1 =	vld [tilespmem:s25+$0x10]  }
0x1b: {  	s26 =	simm.s32 $0xC20;
	v2 =	vld [tilespmem:s25+$0xFFFFFFE0]  }
0x1c: {  	v3 =	vld [tilespmem:s26+$0x10]  }
0x1d: {  	v4 =	vld [tilespmem:s24+$0xFFFFFFF0]  }
0x1e: {  	v5 =	vld [tilespmem:s25+$0xFFFFFFF0]  }
0x1f: {  	v7 =	vld [tilespmem:s24+$0x0];
	v6 =	vshrl.u32 v0, $0x1  }
0x20: {  	v9 =	vld [tilespmem:s25+$0x0];
	v8 =	vshrl.u32 v1, $0x1  }
0x21: {  	v10 =	vld [tilespmem:s24+$0xFFFFFFE0]  }
0x22: {  	v12 =	vld [tilespmem:s26+$0xFFFFFFE0];
	v11 =	vshrl.u32 v3, $0x1  }
0x23: {  	v16 =	vld [tilespmem:s26+$0xFFFFFFF0];
	v13 =	vshrl.u32 v2, $0x1  }
0x24: {  	v14 =	vshrl.u32 v4, $0x1;
	v6 =	vld.idx.msk [tilespmem:v6+s3+$0x0], $0xffff  }
0x25: {  	v15 =	vshrl.u32 v5, $0x1;
	v8 =	vld.idx.msk [tilespmem:v8+s3+$0x0], $0xffff  }
0x26: {  	v19 =	vld [tilespmem:s26+$0x0];
	v2 =	vshll.u32 v2, $0x1F;
	v17 =	vshrl.u32 v10, $0x1  }
0x27: {  	v4 =	vshll.u32 v4, $0x1F;
	v5 =	vshll.u32 v5, $0x1F;
	v18 =	vshrl.u32 v7, $0x1;
	v11 =	vld.idx.msk [tilespmem:v11+s3+$0x0], $0xffff  }
0x28: {  	v7 =	vshll.u32 v7, $0x1F;
	v0 =	vshll.u32 v0, $0x1F;
	v21 =	vshrl.u32 v12, $0x1;
	v13 =	vld.idx.msk [tilespmem:v13+s3+$0x0], $0xffff  }
0x29: {  	v20 =	vshrl.u32 v9, $0x1;
	v1 =	vshll.u32 v1, $0x1F;
	v14 =	vld.idx.msk [tilespmem:v14+s3+$0x0], $0xffff;
	v0 =	vxor.u32 v6, v0  }
0x2a: {  	v6 =	vshll.u32 v10, $0x1F;
	v10 =	vld.idx.msk [tilespmem:v15+s3+$0x0], $0xffff;
	v1 =	vxor.u32 v8, v1;
	v0 =	vmul.f32 $1.442695020e+00, v0  }
0x2b: {  	v3 =	vshll.u32 v3, $0x1F;
	v8 =	vshll.u32 v12, $0x1F;
	v12 =	vld.idx.msk [tilespmem:v17+s3+$0x0], $0xffff;
	v1 =	vmul.f32 $1.442695020e+00, v1  }
0x2c: {  	v34 =	vld.idx.msk [tilespmem:v18+s3+$0x0], $0xffff;
	v15 =	vshrl.u32 v16, $0x1;
	v3 =	vxor.u32 v11, v3;
	(erf) = vpow2.f32 v0  }
0x2d: {  	v11 =	vld.idx.msk [tilespmem:v21+s3+$0x0], $0xffff;
	v3 =	vmul.f32 $1.442695020e+00, v3;
	(erf) = vpow2.f32 v1;
	v1 =	vxor.u32 v13, v2  }
0x2e: {  	v4 =	vxor.u32 v14, v4;
	v0 =	vld.idx.msk [tilespmem:v20+s3+$0x0], $0xffff;
	v2 =	vshrl.u32 v19, $0x1;
	v1 =	vmul.f32 $1.442695020e+00, v1  }
0x2f: {  	(erf) = vpow2.f32 v3;
	v3 =	vmul.f32 $1.442695020e+00, v4;
	v4 =	vxor.u32 v10, v5  }
0x30: {  	v5 =	vxor.u32 v12, v6;
	v4 =	vmul.f32 $1.442695020e+00, v4;
	(erf) = vpow2.f32 v1  }
0x31: {  	v9 =	vshll.u32 v9, $0x1F;
	v1 =	vmul.f32 $1.442695020e+00, v5;
	(erf) = vpow2.f32 v3  }
0x32: {  	v5 =	vxor.u32 v34, v7;
	(erf) = vpow2.f32 v4;
	v4 =	vxor.u32 v11, v8  }
0x33: {  	v5 =	vmul.f32 $1.442695020e+00, v5;
	v0 =	vxor.u32 v0, v9  }
0x34: {  	v3 =	vld.idx.msk [tilespmem:v15+s3+$0x0], $0xffff;
	v0 =	vmul.f32 $1.442695020e+00, v0  }
0x35: {  	(erf) = vpow2.f32 v1;
	v1 =	vld.idx.msk [tilespmem:v2+s3+$0x0], $0xffff;
	v2 =	vmul.f32 $1.442695020e+00, v4;
	v4 =	vpop (erf)  }
0x36: {  	s30 =	simm.s32 $0xC60;
	(erf) = vpow2.f32 v5;
	v4 =	vadd.f32 $1.000000000e+00, v4  }
0x37: {  	s28 =	simm.s32 $0x860;
	v36 =	vld [tilespmem:s30+$0xFFFFFFE0];
	(erf) = vpow2.f32 v0;
	v5 =	vpop (erf)  }
0x38: {  	v0 =	vshll.u32 v16, $0x1F;
	(erf) = vpow2.f32 v2;
	v2 =	vadd.f32 $1.000000000e+00, v5;
	v5 =	vld [tilespmem:s28+$0x10]  }
0x39: {  	s29 =	simm.s32 $0xA60;
	v25 =	vld [tilespmem:s30+$0x0];
	v0 =	vxor.u32 v3, v0;
	(erf) = vrcp.f32 v4  }
0x3a: {  	v3 =	vshll.u32 v19, $0x1F;
	v0 =	vmul.f32 $1.442695020e+00, v0;
	(erf) = vrcp.f32 v2;
	v2 =	vld [tilespmem:s29+$0x10];
	v4 =	vpop (erf)  }
0x3b: {  	v13 =	vld [tilespmem:s29+$0x0];
	v1 =	vxor.u32 v1, v3;
	v3 =	vadd.f32 $1.000000000e+00, v4;
	v4 =	vpop (erf)  }
0x3c: {  	v24 =	vshrl.u32 v36, $0x1;
	v15 =	vld [tilespmem:s28+$0xFFFFFFE0];
	(erf) = vpow2.f32 v0;
	v6 =	vpop (erf)  }
0x3d: {  	v1 =	vmul.f32 $1.442695020e+00, v1;
	v0 =	vld [tilespmem:s29+$0xFFFFFFE0];
	v9 =	vshrl.u32 v5, $0x1;
	(erf) = vrcp.f32 v3;
	v7 =	vpop (erf)  }
0x3e: {  	v26 =	vshrl.u32 v25, $0x1;
	v4 =	vadd.f32 $1.000000000e+00, v4;
	v3 =	vld [tilespmem:s30+$0x10];
	v6 =	vadd.f32 $1.000000000e+00, v6;
	v8 =	vpop (erf)  }
0x3f: {  	(erf) = vpow2.f32 v1;
	v1 =	vld [tilespmem:s28+$0xFFFFFFF0];
	v11 =	vshrl.u32 v2, $0x1;
	v8 =	vadd.f32 $1.000000000e+00, v8;
	v10 =	vpop (erf)  }
0x40: {  	v7 =	vadd.f32 $1.000000000e+00, v7;
	(erf) = vrcp.f32 v4;
	v4 =	vld [tilespmem:s29+$0xFFFFFFF0];
	v10 =	vadd.f32 $1.000000000e+00, v10  }
0x41: {  	v22 =	vshrl.u32 v13, $0x1;
	v5 =	vshll.u32 v5, $0x1F;
	(erf) = vrcp.f32 v6;
	v6 =	vld [tilespmem:s28+$0x0];
	v12 =	vpop (erf)  }
0x42: {  	(erf) = vrcp.f32 v7;
	v7 =	vshrl.u32 v0, $0x1;
	v14 =	vpop (erf);
	v12 =	vadd.f32 $1.000000000e+00, v12;
	v9 =	vld.idx.msk [tilespmem:v9+s3+$0x0], $0xffff  }
0x43: {  	v2 =	vshll.u32 v2, $0x1F;
	v35 =	vshrl.u32 v3, $0x1;
	(erf) = vrcp.f32 v8;
	v8 =	vpop (erf)  }
0x44: {  	v0 =	vshll.u32 v0, $0x1F;
	v37 =	vshrl.u32 v1, $0x1;
	(erf) = vrcp.f32 v10;
	v11 =	vld.idx.msk [tilespmem:v11+s3+$0x0], $0xffff;
	v10 =	vpop (erf)  }
0x45: {  	v14 =	vadd.f32 $1.000000000e+00, v14;
	v38 =	vshrl.u32 v4, $0x1;
	v8 =	vmul.f32 v10, v8;
	v10 =	vpop (erf)  }
0x46: {  	v40 =	vld [tilespmem:s30+$0xFFFFFFF0];
	(erf) = vrcp.f32 v12;
	v39 =	vshrl.u32 v6, $0x1;
	v12 =	vpop (erf);
	v10 =	vadd.f32 $1.000000000e+00, v10  }
0x47: {  	v7 =	vld.idx.msk [tilespmem:v7+s3+$0x0], $0xffff;
	v5 =	vxor.u32 v9, v5;
	v8 =	vmul.f32 v12, v8;
	v12 =	vshrl.u32 v15, $0x1  }
0x48: {  	v3 =	vshll.u32 v3, $0x1F;
	(erf) = vrcp.f32 v14;
	v16 =	vld.idx.msk [tilespmem:v35+s3+$0x0], $0xffff;
	v23 =	vpop (erf);
	v5 =	vmul.f32 $1.442695020e+00, v5  }
0x49: {  	v1 =	vshll.u32 v1, $0x1F;
	(erf) = vrcp.f32 v10;
	v9 =	vpop (erf);
	v10 =	vld.idx.msk [tilespmem:v37+s3+$0x0], $0xffff;
	v2 =	vxor.u32 v11, v2  }
0x4a: {  	v4 =	vshll.u32 v4, $0x1F;
	v6 =	vshll.u32 v6, $0x1F;
	v11 =	vpop (erf);
	v41 =	vld.idx.msk [tilespmem:v38+s3+$0x0], $0xffff;
	v2 =	vmul.f32 $1.442695020e+00, v2  }
0x4b: {  	v14 =	vshrl.u32 v40, $0x1;
	v23 =	vadd.f32 $1.000000000e+00, v23;
	(erf) = vpow2.f32 v5;
	v43 =	vpop (erf);
	v44 =	vld.idx.msk [tilespmem:v39+s3+$0x0], $0xffff  }
0x4c: {  	v15 =	vshll.u32 v15, $0x1F;
	v5 =	vpop (erf);
	(erf) = vpow2.f32 v2;
	v0 =	vxor.u32 v7, v0;
	v12 =	vld.idx.msk [tilespmem:v12+s3+$0x0], $0xffff  }
0x4d: {  	v3 =	vxor.u32 v16, v3;
	v5 =	vmul.f32 v9, v5;
	(erf) = vrcp.f32 v23  }
0x4e: {  	v2 =	vld.idx.msk [tilespmem:v22+s3+$0x0], $0xffff;
	v0 =	vmul.f32 $1.442695020e+00, v0;
	v3 =	vmul.f32 $1.442695020e+00, v3;
	v1 =	vxor.u32 v10, v1  }
0x4f: {  	v7 =	vld.idx.msk [tilespmem:v24+s3+$0x0], $0xffff;
	v9 =	vmul.f32 v43, v11;
	v1 =	vmul.f32 $1.442695020e+00, v1;
	v4 =	vxor.u32 v41, v4  }
0x50: {  	(erf) = vpow2.f32 v3;
	v4 =	vmul.f32 $1.442695020e+00, v4;
	v6 =	vxor.u32 v44, v6  }
0x51: {  	v10 =	vpop (erf);
	(erf) = vpow2.f32 v0;
	v6 =	vmul.f32 $1.442695020e+00, v6;
	v11 =	vxor.u32 v12, v15  }
0x52: {  	v13 =	vshll.u32 v13, $0x1F;
	v0 =	vpop (erf);
	(erf) = vpow2.f32 v1;
	v11 =	vmul.f32 $1.442695020e+00, v11  }
0x53: {  	v17 =	vshll.u32 v36, $0x1F;
	v2 =	vxor.u32 v2, v13;
	v1 =	vpop (erf);
	(erf) = vpow2.f32 v4  }
0x54: {  	v3 =	vld.idx.msk [tilespmem:v14+s3+$0x0], $0xffff;
	v7 =	vxor.u32 v7, v17;
	v2 =	vmul.f32 $1.442695020e+00, v2;
	v4 =	vpop (erf);
	(erf) = vpow2.f32 v11  }
0x55: {  	v12 =	vld.idx.msk [tilespmem:v26+s3+$0x0], $0xffff;
	v7 =	vmul.f32 $1.442695020e+00, v7;
	(erf) = vpow2.f32 v6;
	v6 =	vpop (erf)  }
0x56: {  	v6 =	vadd.f32 $1.000000000e+00, v6  }
0x57: {  	v42 =	vshll.u32 v40, $0x1F  }
0x58: {  	v45 =	vshll.u32 v25, $0x1F;
	v0 =	vmul.f32 v0, v10;
	(erf) = vpow2.f32 v2;
	v2 =	vpop (erf)  }
0x59: {  	s5 =	simm.s32 $0xAA0;
	v3 =	vxor.u32 v3, v42;
	v2 =	vadd.f32 $1.000000000e+00, v2;
	(erf) = vpow2.f32 v7;
	v7 =	vpop (erf)  }
0x5a: {  	s6 =	simm.s32 $0xCA0;
	v47 =	vld [tilespmem:s5+$0x0];
	v3 =	vmul.f32 $1.442695020e+00, v3;
	v11 =	vxor.u32 v12, v45;
	(erf) = vrcp.f32 v6;
	v6 =	vpop (erf)  }
0x5b: {  	v51 =	vld [tilespmem:s6+$0xFFFFFFE0];
	(erf) = vrcp.f32 v2;
	v13 =	vadd.f32 $1.000000000e+00, v6;
	v6 =	vsub.f32 $1.000000000e+00, v8;
	v8 =	vpop (erf)  }
0x5c: {  	s31 =	simm.s32 $0x8A0;
	v55 =	vld [tilespmem:s6+$0xFFFFFFF0];
	v11 =	vmul.f32 $1.442695020e+00, v11;
	(erf) = vpow2.f32 v3;
	v10 =	vpop (erf)  }
0x5d: {  	v12 =	vld [tilespmem:s31+$0x10];
	v3 =	vmul.f32 v1, v5;
	v1 =	vmul.f32 v4, v9;
	v9 =	vadd.f32 $1.000000000e+00, v10  }
0x5e: {  	v2 =	vld [tilespmem:s5+$0x10];
	v8 =	vadd.f32 $1.000000000e+00, v8;
	(erf) = vrcp.f32 v13;
	v10 =	vpop (erf)  }
0x5f: {  	v29 =	vld [tilespmem:s6+$0x0];
	(erf) = vpow2.f32 v11;
	v10 =	vadd.f32 $1.000000000e+00, v10  }
0x60: {  	v5 =	vld [tilespmem:s5+$0xFFFFFFE0];
	v11 =	vpop (erf);
	(erf) = vrcp.f32 v8  }
0x61: {  	v4 =	vld [tilespmem:s6+$0x10];
	v11 =	vadd.f32 $1.000000000e+00, v11;
	(erf) = vrcp.f32 v9;
	v9 =	vpop (erf)  }
0x62: {  	v13 =	vsub.f32 $1.000000000e+00, v3;
	v3 =	vld [tilespmem:s5+$0xFFFFFFF0];
	v8 =	vshrl.u32 v12, $0x1;
	v9 =	vadd.f32 $1.000000000e+00, v9  }
0x63: {  	v0 =	vmul.f32 v7, v0;
	v7 =	vld [tilespmem:s31+$0xFFFFFFF0];
	v15 =	vshrl.u32 v2, $0x1;
	(erf) = vrcp.f32 v10;
	v10 =	vpop (erf)  }
0x64: {  	v14 =	vld [tilespmem:s31+$0x0];
	v10 =	vadd.f32 $1.000000000e+00, v10;
	v48 =	vpop (erf)  }
0x65: {  	v49 =	vld [tilespmem:s31+$0xFFFFFFE0];
	v56 =	vshrl.u32 v47, $0x1;
	v28 =	vshrl.u32 v51, $0x1;
	(erf) = vrcp.f32 v11;
	v11 =	vpop (erf)  }
0x66: {  	v46 =	vshrl.u32 v5, $0x1;
	v50 =	vshrl.u32 v4, $0x1;
	(erf) = vrcp.f32 v9;
	v9 =	vpop (erf)  }
0x67: {  	v53 =	vshrl.u32 v3, $0x1;
	v54 =	vshll.u32 v3, $0x1F;
	v3 =	vld.idx.msk [tilespmem:v8+s3+$0x0], $0xffff;
	v8 =	vmul.f32 v9, v11;
	v9 =	vpop (erf)  }
0x68: {  	v57 =	vshrl.u32 v55, $0x1;
	v52 =	vshrl.u32 v7, $0x1;
	v15 =	vld.idx.msk [tilespmem:v15+s3+$0x0], $0xffff;
	(erf) = vrcp.f32 v10;
	v10 =	vpop (erf)  }
0x69: {  	v61 =	vshrl.u32 v29, $0x1;
	v11 =	vshrl.u32 v14, $0x1;
	v8 =	vmul.f32 v10, v8  }
0x6a: {  	v19 =	vshll.u32 v49, $0x1F;
	v18 =	vadd.f32 $1.000000000e+00, v48;
	v9 =	vadd.f32 $1.000000000e+00, v9  }
0x6b: {  	v20 =	vld.idx.msk [tilespmem:v50+s3+$0x0], $0xffff;
	v10 =	vshrl.u32 v49, $0x1;
	v30 =	vsub.f32 $1.000000000e+00, v8;
	v8 =	vshll.u32 v12, $0x1F  }
0x6c: {  	v2 =	vshll.u32 v2, $0x1F;
	v16 =	vld.idx.msk [tilespmem:v46+s3+$0x0], $0xffff;
	(erf) = vrcp.f32 v18;
	v3 =	vxor.u32 v3, v8  }
0x6d: {  	v27 =	vpop (erf);
	v2 =	vxor.u32 v15, v2;
	(erf) = vrcp.f32 v9;
	v9 =	vld.idx.msk [tilespmem:v52+s3+$0x0], $0xffff;
	v3 =	vmul.f32 $1.442695020e+00, v3  }
0x6e: {  	v7 =	vshll.u32 v7, $0x1F;
	v5 =	vshll.u32 v5, $0x1F;
	v2 =	vmul.f32 $1.442695020e+00, v2;
	v11 =	vld.idx.msk [tilespmem:v11+s3+$0x0], $0xffff;
	v8 =	vpop (erf)  }
0x6f: {  	v4 =	vshll.u32 v4, $0x1F;
	v58 =	vld.idx.msk [tilespmem:v53+s3+$0x0], $0xffff;
	v12 =	vadd.f32 $1.000000000e+00, v27;
	v15 =	vpop (erf);
	(erf) = vpow2.f32 v3  }
0x70: {  	v14 =	vshll.u32 v14, $0x1F;
	v4 =	vxor.u32 v20, v4;
	v10 =	vld.idx.msk [tilespmem:v10+s3+$0x0], $0xffff;
	v60 =	vpop (erf);
	(erf) = vpow2.f32 v2  }
0x71: {  	v4 =	vmul.f32 $1.442695020e+00, v4;
	v2 =	vxor.u32 v16, v5;
	v3 =	vpop (erf);
	(erf) = vrcp.f32 v12  }
0x72: {  	v5 =	vmul.f32 $1.442695020e+00, v2;
	v2 =	vxor.u32 v9, v7;
	v3 =	vmul.f32 v8, v3  }
0x73: {  	v26 =	vld.idx.msk [tilespmem:v56+s3+$0x0], $0xffff;
	v11 =	vxor.u32 v11, v14;
	(erf) = vpow2.f32 v4;
	v7 =	vmul.f32 $1.442695020e+00, v2  }
0x74: {  	v12 =	vld.idx.msk [tilespmem:v28+s3+$0x0], $0xffff;
	v8 =	vxor.u32 v58, v54;
	v4 =	vmul.f32 v60, v15;
	v11 =	vmul.f32 $1.442695020e+00, v11  }
0x75: {  	v10 =	vxor.u32 v10, v19;
	v15 =	vmul.f32 $1.442695020e+00, v8;
	(erf) = vpow2.f32 v5;
	v2 =	vpop (erf)  }
0x76: {  	v63 =	vld.idx.msk [tilespmem:v61+s3+$0x0], $0xffff;
	v10 =	vmul.f32 $1.442695020e+00, v10;
	(erf) = vpow2.f32 v7;
	v5 =	vpop (erf)  }
0x77: {  	v9 =	vld.idx.msk [tilespmem:v57+s3+$0x0], $0xffff;
	(erf) = vpow2.f32 v15;
	v8 =	vpop (erf)  }
0x78: {  	v21 =	vshll.u32 v51, $0x1F;
	v17 =	vshll.u32 v47, $0x1F;
	(erf) = vpow2.f32 v10;
	v7 =	vpop (erf)  }
0x79: {  	v14 =	vxor.u32 v26, v17;
	v12 =	vxor.u32 v12, v21;
	(erf) = vpow2.f32 v11;
	v11 =	vpop (erf)  }
0x7a: {  	s8 =	simm.s32 $0xE20;
	v14 =	vmul.f32 $1.442695020e+00, v14;
	v10 =	vmul.f32 $1.442695020e+00, v12;
	v12 =	vadd.f32 $1.000000000e+00, v11  }
0x7b: {  	v59 =	vshll.u32 v55, $0x1F;
	v62 =	vshll.u32 v29, $0x1F;
	[tilespmem:s8+$0x10] =	vst v6  }
0x7c: {  	[tilespmem:s8+$0xFFFFFFE0] =	vst v13;
	v13 =	vxor.u32 v63, v62;
	v9 =	vxor.u32 v9, v59;
	(erf) = vpow2.f32 v14;
	v6 =	vpop (erf)  }
0x7d: {  	s7 =	simm.s32 $0xE60;
	v9 =	vmul.f32 $1.442695020e+00, v9;
	(erf) = vpow2.f32 v10;
	v11 =	vadd.f32 $1.000000000e+00, v6;
	v6 =	vpop (erf)  }
0x7e: {  	s9 =	simm.s32 $0x80;
	s10 =	simm.s32 $0x8E0;
	s4 =	sadd.s32 $0x1000, s4;
	v1 =	vsub.f32 $1.000000000e+00, v1;
	[tilespmem:s7+$0x10] =	vst v30;
	v10 =	vmul.f32 $1.442695020e+00, v13;
	(erf) = vrcp.f32 v12;
	v12 =	vpop (erf)  }
.LBB2_1:
0x7f: {  	v13 =	vld [tilespmem:s10+$0x10];
	v14 =	vadd.f32 $1.000000000e+00, v12;
	s5 =	sadd.s32 $0x40, s5;
	(erf) = vrcp.f32 v11;
	v2 =	vmul.f32 v5, v2  }
0x80: {  	s9 =	sadd.s32 $0x40, s9;
	v3 =	vmul.f32 v8, v3;
	v15 =	vsub.f32 $1.000000000e+00, v0;
	v5 =	vld [tilespmem:s5+$0x10];
	v11 =	vpop (erf);
	(erf) = vpow2.f32 v9;
	[tilespmem:s8+$0xFFFFFFF0] =	vst v1  }
0x81: {  	s6 =	sadd.s32 $0x40, s6;
	p0 =	slt.u32 s9, $0x1C0;
	v1 =	vmul.f32 v7, v4;
	v9 =	vld [tilespmem:s5+$0xFFFFFFE0];
	v11 =	vadd.f32 $1.000000000e+00, v11;
	v0 =	vpop (erf);
	(erf) = vrcp.f32 v14  }
0x82: {  	v4 =	vld [tilespmem:s6+$0x10];
	v14 =	vadd.f32 $1.000000000e+00, v0;
	v12 =	vpop (erf);
	(erf) = vpow2.f32 v10;
	v0 =	vmul.f32 v6, v2;
	[tilespmem:s8+$0x0] =	vst v15;
	s8 =	smov.u32 s7  }
0x83: {  	v3 =	vsub.f32 $1.000000000e+00, v3;
	v2 =	vld [tilespmem:s10+$0xFFFFFFF0];
	v15 =	vadd.f32 $1.000000000e+00, v12;
	v8 =	vpop (erf);
	(erf) = vrcp.f32 v11  }
0x84: {  	v10 =	vld [tilespmem:s5+$0xFFFFFFF0];
	v11 =	vshrl.u32 v13, $0x1;
	v19 =	vadd.f32 $1.000000000e+00, v8;
	(erf) = vrcp.f32 v14;
	v7 =	vpop (erf)  }
0x85: {  	v12 =	vld [tilespmem:s10+$0x0];
	v14 =	vshrl.u32 v5, $0x1;
	v7 =	vadd.f32 $1.000000000e+00, v7;
	(erf) = vrcp.f32 v15;
	v6 =	vpop (erf);
	[tilespmem:s7+$0xFFFFFFE0] =	vst v3  }
0x86: {  	v3 =	vshrl.u32 v9, $0x1;
	v9 =	vshll.u32 v9, $0x1F;
	v15 =	vld [tilespmem:s5+$0x0];
	v6 =	vadd.f32 $1.000000000e+00, v6;
	v16 =	vpop (erf)  }
0x87: {  	v17 =	vld [tilespmem:s10+$0xFFFFFFE0];
	v18 =	vshrl.u32 v4, $0x1;
	v16 =	vadd.f32 $1.000000000e+00, v16;
	(erf) = vrcp.f32 v19;
	v8 =	vpop (erf)  }
0x88: {  	v19 =	vld [tilespmem:s6+$0xFFFFFFE0];
	v20 =	vshrl.u32 v2, $0x1;
	v21 =	vshll.u32 v2, $0x1F;
	(erf) = vrcp.f32 v7;
	v2 =	vpop (erf)  }
0x89: {  	v7 =	vshrl.u32 v10, $0x1;
	v10 =	vshll.u32 v10, $0x1F;
	v11 =	vld.idx.msk [tilespmem:v11+s3+$0x0], $0xffff;
	v2 =	vmul.f32 v2, v8;
	v8 =	vpop (erf)  }
0x8a: {  	v22 =	vshrl.u32 v12, $0x1;
	v12 =	vshll.u32 v12, $0x1F;
	v14 =	vld.idx.msk [tilespmem:v14+s3+$0x0], $0xffff;
	(erf) = vrcp.f32 v6;
	v6 =	vpop (erf)  }
0x8b: {  	v23 =	vld [tilespmem:s6+$0xFFFFFFF0];
	v24 =	vshrl.u32 v15, $0x1;
	v15 =	vshll.u32 v15, $0x1F;
	v2 =	vmul.f32 v6, v2;
	v6 =	vpop (erf)  }
0x8c: {  	v8 =	vadd.f32 $1.000000000e+00, v8;
	v25 =	vshrl.u32 v17, $0x1;
	v17 =	vshll.u32 v17, $0x1F;
	v18 =	vld.idx.msk [tilespmem:v18+s3+$0x0], $0xffff;
	v26 =	vpop (erf)  }
0x8d: {  	v27 =	vshrl.u32 v19, $0x1;
	v19 =	vshll.u32 v19, $0x1F;
	v28 =	vld [tilespmem:s6+$0x0];
	v2 =	vsub.f32 $1.000000000e+00, v2;
	v29 =	vpop (erf)  }
0x8e: {  	v30 =	vshll.u32 v13, $0x1F;
	s7 =	sadd.s32 $0x40, s7;
	v6 =	vadd.f32 $1.000000000e+00, v6;
	v3 =	vld.idx.msk [tilespmem:v3+s3+$0x0], $0xffff;
	(erf) = vrcp.f32 v16;
	v16 =	vpop (erf)  }
0x8f: {  	v5 =	vshll.u32 v5, $0x1F;
	v11 =	vxor.u32 v11, v30;
	v20 =	vld.idx.msk [tilespmem:v20+s3+$0x0], $0xffff;
	[tilespmem:s7+$0x10] =	vst v2;
	(erf) = vrcp.f32 v8  }
0x90: {  	v11 =	vmul.f32 $1.442695020e+00, v11;
	v30 =	vxor.u32 v14, v5;
	v7 =	vld.idx.msk [tilespmem:v7+s3+$0x0], $0xffff;
	v8 =	vshrl.u32 v23, $0x1;
	v13 =	vpop (erf)  }
0x91: {  	v4 =	vshll.u32 v4, $0x1F;
	v23 =	vshll.u32 v23, $0x1F;
	v30 =	vmul.f32 $1.442695020e+00, v30;
	v14 =	vld.idx.msk [tilespmem:v25+s3+$0x0], $0xffff;
	v2 =	vpop (erf)  }
0x92: {  	v4 =	vxor.u32 v18, v4;
	v22 =	vld.idx.msk [tilespmem:v22+s3+$0x0], $0xffff;
	v25 =	vshrl.u32 v28, $0x1;
	(erf) = vpow2.f32 v11  }
0x93: {  	v18 =	vshll.u32 v28, $0x1F;
	v4 =	vmul.f32 $1.442695020e+00, v4;
	v11 =	vld.idx.msk [tilespmem:v24+s3+$0x0], $0xffff;
	(erf) = vpow2.f32 v30;
	v5 =	vpop (erf)  }
0x94: {  	v9 =	vxor.u32 v3, v9;
	v3 =	vmul.f32 v26, v13;
	v24 =	vld.idx.msk [tilespmem:v27+s3+$0x0], $0xffff;
	(erf) = vrcp.f32 v6  }
0x95: {  	v6 =	vmul.f32 $1.442695020e+00, v9;
	v9 =	vxor.u32 v20, v21;
	v13 =	vld.idx.msk [tilespmem:v8+s3+$0x0], $0xffff;
	(erf) = vpow2.f32 v4  }
0x96: {  	v9 =	vmul.f32 $1.442695020e+00, v9;
	v20 =	vxor.u32 v7, v10;
	v4 =	vmul.f32 v16, v29  }
0x97: {  	v10 =	vxor.u32 v14, v17;
	v14 =	vmul.f32 $1.442695020e+00, v20;
	v16 =	vld.idx.msk [tilespmem:v25+s3+$0x0], $0xffff;
	(erf) = vpow2.f32 v6;
	v8 =	vpop (erf)  }
0x98: {  	v6 =	vmul.f32 $1.442695020e+00, v10;
	v10 =	vxor.u32 v22, v12;
	(erf) = vpow2.f32 v9;
	v7 =	vpop (erf)  }
0x99: {  	v9 =	vmul.f32 $1.442695020e+00, v10;
	v10 =	vxor.u32 v11, v15;
	(erf) = vpow2.f32 v14  }
.Ltmp0:
0x9a: {  	v11 =	vxor.u32 v24, v19;
	v14 =	vmul.f32 $1.442695020e+00, v10;
	(erf) = vpow2.f32 v6;
	(pc) =	sbr.rel @p0 .LBB2_1-.Ltmp0, $4  }
0x9b: {  	v15 =	vmul.f32 $1.442695020e+00, v11;
	v11 =	vxor.u32 v13, v23;
	(erf) = vpow2.f32 v9;
	v12 =	vpop (erf)  }
0x9c: {  	v9 =	vmul.f32 $1.442695020e+00, v11;
	v17 =	vadd.f32 $1.000000000e+00, v12;
	(erf) = vpow2.f32 v14;
	v10 =	vpop (erf)  }
0x9d: {  	v13 =	vxor.u32 v16, v18;
	v11 =	vadd.f32 $1.000000000e+00, v10;
	(erf) = vpow2.f32 v15;
	v6 =	vpop (erf)  }
0x9e: {  	v1 =	vsub.f32 $1.000000000e+00, v1;
	s10 =	sadd.s32 $0x40, s10;
	v10 =	vmul.f32 $1.442695020e+00, v13;
	(erf) = vrcp.f32 v17;
	v12 =	vpop (erf)  }
0x9f: {  	v12 =	vadd.f32 $1.000000000e+00, v12;
	(erf) = vrcp.f32 v11  }
0xa0: {  	v37 =	vpop (erf);
	(erf) = vpow2.f32 v9  }
0xa1: {  	v38 =	vpop (erf);
	(erf) = vrcp.f32 v12  }
0xa2: {  	v39 =	vpop (erf);
	(erf) = vpow2.f32 v10  }
0xa3: {  	v40 =	vpop (erf)  }
0xa4: {  	v11 =	vadd.f32 $1.000000000e+00, v37;
	v13 =	vpop (erf)  }
0xa5: {  	v9 =	vadd.f32 $1.000000000e+00, v38;
	v14 =	vpop (erf)  }
0xa6: {  	v12 =	vadd.f32 $1.000000000e+00, v39;
	(erf) = vrcp.f32 v11;
	v41 =	vpop (erf)  }
0xa7: {  	v10 =	vadd.f32 $1.000000000e+00, v40;
	(erf) = vrcp.f32 v9;
	v42 =	vpop (erf)  }
0xa8: {  	v13 =	vadd.f32 $1.000000000e+00, v13;
	(erf) = vrcp.f32 v12;
	v43 =	vpop (erf)  }
0xa9: {  	v14 =	vadd.f32 $1.000000000e+00, v14;
	(erf) = vrcp.f32 v10;
	v44 =	vpop (erf)  }
0xaa: {  	v11 =	vadd.f32 $1.000000000e+00, v41;
	(erf) = vrcp.f32 v13;
	v45 =	vpop (erf)  }
0xab: {  	(erf) = vrcp.f32 v14;
	v10 =	vadd.f32 $1.000000000e+00, v44;
	v46 =	vpop (erf)  }
0xac: {  	(erf) = vrcp.f32 v11;
	v47 =	vadd.f32 $1.000000000e+00, v46  }
0xad: {  	(erf) = vrcp.f32 v10  }
0xae: {  	(erf) = vrcp.f32 v47  }
0xaf: {  	v48 =	vpop (erf)  }
0xb0: {  	v49 =	vpop (erf)  }
0xb1: {  	v50 =	vpop (erf)  }
0xb2: {  	v3 =	vmul.f32 v8, v3;
	v2 =	vmul.f32 v5, v2;
	v51 =	vpop (erf)  }
0xb3: {  	v0 =	vsub.f32 $1.000000000e+00, v0;
	v54 =	vmul.f32 v7, v4;
	v9 =	vmul.f32 v43, v42;
	v53 =	vpop (erf)  }
0xb4: {  	[tilespmem:s8+$0xFFFFFFF0] =	vst v1;
	v3 =	vsub.f32 $1.000000000e+00, v3;
	v2 =	vmul.f32 v6, v2;
	v56 =	vmul.f32 v48, v51;
	v55 =	vpop (erf)  }
0xb5: {  	[tilespmem:s8+$0x0] =	vst v0;
	v1 =	vsub.f32 $1.000000000e+00, v54;
	v52 =	vmul.f32 v45, v9;
	v58 =	vmul.f32 v50, v49;
	v59 =	vpop (erf)  }
0xb6: {  	[tilespmem:s7+$0xFFFFFFE0] =	vst v3;
	v2 =	vsub.f32 $1.000000000e+00, v2;
	v4 =	vmul.f32 v55, v53;
	v60 =	vpop (erf);
	v6 =	vmul.f32 v59, v56  }
0xb7: {  	[tilespmem:s7+$0xFFFFFFF0] =	vst v1;
	v57 =	vsub.f32 $1.000000000e+00, v52;
	v3 =	vmul.f32 v60, v58;
	v61 =	vpop (erf)  }
0xb8: {  	s3 =	sadd.s32 $0x40, s7;
	[tilespmem:s7+$0x0] =	vst v2;
	v62 =	vsub.f32 $1.000000000e+00, v6;
	v0 =	vmul.f32 v61, v4  }
0xb9: {  	[tilespmem:s3+$0x10] =	vst v57;
	v63 =	vsub.f32 $1.000000000e+00, v3  }
0xba: {  	[tilespmem:s3+$0xFFFFFFE0] =	vst v62;
	v0 =	vsub.f32 $1.000000000e+00, v0  }
0xbb: {  	s2 =	sadd.s32 s4, s2;
	[tilespmem:s3+$0xFFFFFFF0] =	vst v63  }
0xbc: {  	s29 =	simm.s32 $0x0;
	s30 =	simm.s32 $0xE00;
	s31 =	simm.s32 $0x2;
	[tilespmem:s3+$0x0] =	vst v0  }
0xbd: {  	[hbm4b:s2+s29] =	stream.linear.scatter [tilespmem:s30], [sflag:$0x2], $0x200, $0x38;
	[tilespmem:$0x1000] =	vst v63  }
0xbe: {  	_ =	swait.ge [sflag:s31], $0x200  }
0xbf: {  	[sflag:s31] =	ssyncset.done $0x0  }
0xc0: {  	[sflag:s31] =	ssyncadd.s32 $0xFFFFFE00  }
0xc1: {  	_ =	sfence.sel $0x180000  }
0xc2: {  	[bflag:$0x0] =	sbarrier.arrive $0xFFFF  }
0xc3: {  	p0 =	sne.s32 s1, $0x0;
	_ =	strace $0x90000047  }
0xc4: {  	s0 =	sadd.s32 @!p0 $0x100000, s0;
	[bflag:$0x2] =	sbarrier.arrive $0xFFFF  }
0xc5: {  	[sflag:s0] =	ssyncadd.tile.s32 @!p0 $0x1;
	_ =	shalt  }
.Lfunc_end2:
_tile_overlayer_lowered:
.L_overlay_start_2:
0xc6: {  	(tag) =	ssettag $0x2  }
0xc7: {  	s0 =	rddreg [dreg:$0x0];
	s2 =	stileid.u32  }
0xc8: {  	s1 =	rddreg [dreg:$0x1];
	p0 =	sne.s32 s2, $0x0  }
0xc9: {  	s3 =	rddreg [dreg:$0x2];
	[bflag:$0x3] =	sbarrier.arrive $0xFFFF;
	s2 =	simm.s32 @!p0 $0x1C02  }
0xca: {  	[timem:s3], [sflag:s2] =	dma.local @!p0 [hbm:s0], s1  }
0xcb: {  	s0 =	simm.s32 @!p0 $0x2  }
0xcc: {  	_ =	swait.ge @!p0 [sflag:s0], s1  }
0xcd: {  	s1 =	ssub.s32 @!p0 $0x0, s1;
	[sflag:s0] =	ssyncset.done @!p0 $0x0  }
0xce: {  	[sflag:s0] =	ssyncadd.s32 @!p0 s1  }
0xcf: {  	[bflag:$0x3] =	sbarrier.arrive $0xFFFF  }
0xd0: {  	_ =	shalt  }

</sc_bundles>
